<compile_context>
chip_gen: v7x
topology: tpu7x:2x2x1
jax: 0.10.2.dev20260603
libtpu: 0.0.44.dev20260713+nightly
codegen_flags: <defaults>
</compile_context>

<pallas_src>
import functools

import jax
import jax.numpy as jnp
from jax import lax
from jax.experimental import pallas as pl
from jax.experimental.pallas import tpu as pltpu
from jax.experimental.pallas import tpu_sc as plsc

_B, _CIN, _H, _W = 64, 192, 56, 56
_COUT = 2 * _CIN
_N = _B * _H * _W
_NW = 32
_RPW = _N // _NW
_CH = 64
_NCH = _RPW // _CH
_GRP = _CH * (_CIN // 16)


def _sc_body(x_hbm, o_hbm, xv, ov, sem):
    cid = lax.axis_index("c")
    sid = lax.axis_index("s")
    wid = sid * 2 + cid
    iota = lax.iota(jnp.int32, 16)
    zeros = jnp.zeros((16,), jnp.float32)

    def zbody(i, carry):
        ov[pl.ds(i * 16, 16)] = zeros
        return carry

    lax.fori_loop(0, _CH * _COUT // 16, zbody, 0)

    def chunk(k, carry):
        r0 = wid * _RPW + k * _CH
        pltpu.sync_copy(x_hbm.at[pl.ds(r0 * _CIN, _CH * _CIN)], xv)

        def grp(j, c2):
            r = j // (_CIN // 16)
            c0 = (j % (_CIN // 16)) * 16
            idx = r * _COUT + 2 * c0 + 2 * iota
            plsc.store_scatter(ov, [idx], xv[pl.ds(j * 16, 16)])
            return c2

        lax.fori_loop(0, _GRP, grp, 0)
        pltpu.sync_copy(ov, o_hbm.at[pl.ds(r0 * _COUT, _CH * _COUT)])
        return carry

    lax.fori_loop(0, _NCH, chunk, 0)


def kernel(x):
    xt = jnp.transpose(x, (0, 2, 3, 1)).reshape(_N * _CIN)
    mesh = plsc.VectorSubcoreMesh(core_axis_name="c", subcore_axis_name="s")
    run = functools.partial(
        pl.kernel,
        mesh=mesh,
        compiler_params=pltpu.CompilerParams(needs_layout_passes=False),
        out_type=jax.ShapeDtypeStruct((_N * _COUT,), jnp.float32),
        scratch_types=[
            pltpu.VMEM((_CH * _CIN,), jnp.float32),
            pltpu.VMEM((_CH * _COUT,), jnp.float32),
            pltpu.SemaphoreType.DMA,
        ],
    )(_sc_body)
    out_flat = run(xt)
    return jnp.transpose(out_flat.reshape(_B, _H, _W, _COUT), (0, 3, 1, 2))

# --- scband reference (transcript-rebuilt; emitter-appended) ---
"""Pipeline reference for scband-zero-padding-80788334838274 (READ-ONLY COPY).

The authoritative reference and input builder live on the scoring server;
editing this copy changes nothing except your own understanding.
"""

import jax, jax.numpy as jnp
import numpy as np

NUM_CHANNELS = 384
KEEP_CHANNEL_IDX = jnp.arange(0, 384, 2)  # 192 even channel indices


def setup_inputs(seed: int = 0) -> dict:
    key = jax.random.key(seed)
    x = jax.random.normal(key, (64, 192, 56, 56), dtype=jnp.float32)
    return {"x": x}


def reference(x):
    # output = zeros(B, num_channels, H, W); output[:, keep_channel_idx, :, :] = x
    B, _, H, W = x.shape
    output = jnp.zeros((B, NUM_CHANNELS, H, W), dtype=x.dtype)
    output = output.at[:, KEEP_CHANNEL_IDX, :, :].set(x)
    return output

if __name__ == "__main__":
    import jax
    _d = setup_inputs()
    print(jax.jit(kernel)(*tuple(_d.values())))

</pallas_src>

<mosaic_0001>
#map = affine_map<(d0, d1) -> (0)>
module attributes {stable_mosaic.version = 14 : i64} {
  func.func @_sc_body(%arg0: i32, %arg1: i32, %arg2: memref<38535168xf32, #tpu.memory_space<hbm>>, %arg3: memref<77070336xf32, #tpu.memory_space<hbm>>, %arg4: memref<12288xf32, #tpu.memory_space<vmem>>, %arg5: memref<24576xf32, #tpu.memory_space<vmem>>, %arg6: memref<!tpu.dma_semaphore, #tpu.memory_space<semaphore_mem>>) attributes {dimension_semantics = [#tpu.dimension_semantics<core_parallel>, #tpu.dimension_semantics<subcore_parallel>], iteration_bounds = array<i64: 2, 16>, scalar_prefetch = 0 : i64, scratch_operands = 3 : i64, tpu.core_type = #tpu.core_type<sc_vector_subcore>, window_params = [{transform_indices = #map}, {transform_indices = #map}]} {
    %mul3A = arith.constant 2 : i32
    %mul3A_0 = arith.muli %arg1, %mul3A : i32
    %add3A = arith.addi %mul3A_0, %arg0 : i32
    %iota3A = tpu.iota {dimensions = array<i32: 0>} : vector<16xi32>
    %broadcast_in_dim3A = arith.constant 0.000000e+00 : f32
    %broadcast_in_dim3A_1 = vector.broadcast %broadcast_in_dim3A : f32 to vector<16xf32>
    %scan3A = arith.constant 0 : i32
    %scan3A_2 = arith.constant 0 : i32
    %scan3A_3 = arith.constant 1536 : i32
    %scan3A_4 = arith.addi %scan3A_2, %scan3A_3 : i32
    %scan3A_5 = arith.constant 1 : i32
    scf.for %scan3A_13 = %scan3A_2 to %scan3A_4 step %scan3A_5  : i32 {
      %mul3A_14 = arith.constant 16 : i32
      %mul3A_15 = arith.muli %scan3A_13, %mul3A_14 : i32
      %swap3A = arith.index_cast %mul3A_15 : i32 to index
      %swap3A_16 = tpu.vector_load %arg5[%swap3A] {strides = array<i32>} : memref<24576xf32, #tpu.memory_space<vmem>>, vector<16xf32>,
      tpu.vector_store %arg5[%swap3A], %broadcast_in_dim3A_1 {strides = array<i32>} : memref<24576xf32, #tpu.memory_space<vmem>>, vector<16xf32>,
    }
    %scan3A_6 = arith.constant 1536 : i32
    %scan3A_7 = arith.constant 0 : i32
    %scan3A_8 = arith.constant 0 : i32
    %scan3A_9 = arith.constant 98 : i32
    %scan3A_10 = arith.addi %scan3A_8, %scan3A_9 : i32
    %scan3A_11 = arith.constant 1 : i32
    scf.for %scan3A_13 = %scan3A_8 to %scan3A_10 step %scan3A_11  : i32 {
      %mul3A_14 = arith.constant 6272 : i32
      %mul3A_15 = arith.muli %add3A, %mul3A_14 : i32
      %mul3A_16 = arith.constant 64 : i32
      %mul3A_17 = arith.muli %scan3A_13, %mul3A_16 : i32
      %add3A_18 = arith.addi %mul3A_15, %mul3A_17 : i32
      %mul3A_19 = arith.constant 192 : i32
      %mul3A_20 = arith.muli %add3A_18, %mul3A_19 : i32
      "tpu.region"() ({
        %run_scoped3A = tpu.sem_alloc : memref<!tpu.dma_semaphore, #tpu.memory_space<semaphore_mem>>
        %dma_start3A = tpu.memref_slice %arg2[%mul3A_20] : memref<38535168xf32, #tpu.memory_space<hbm>> -> memref<12288xf32, #tpu.memory_space<hbm>>
        %dma_start3A_29 = tpu.memref_slice %arg2[%mul3A_20] : memref<38535168xf32, #tpu.memory_space<hbm>> -> memref<12288xf32, #tpu.memory_space<hbm>>
        tpu.enqueue_dma source(%dma_start3A_29 : memref<12288xf32, #tpu.memory_space<hbm>>) target(%arg4 : memref<12288xf32, #tpu.memory_space<vmem>>) target_semaphore(%run_scoped3A : memref<!tpu.dma_semaphore, #tpu.memory_space<semaphore_mem>>)
        %dma_wait3A = tpu.memref_slice %arg2[%mul3A_20] : memref<38535168xf32, #tpu.memory_space<hbm>> -> memref<12288xf32, #tpu.memory_space<hbm>>
        %dma_wait3A_30 = tpu.memref_slice %arg2[%mul3A_20] : memref<38535168xf32, #tpu.memory_space<hbm>> -> memref<12288xf32, #tpu.memory_space<hbm>>
        tpu.wait_dma2 semaphore(%run_scoped3A : memref<!tpu.dma_semaphore, #tpu.memory_space<semaphore_mem>>) src(%dma_wait3A_30 : memref<12288xf32, #tpu.memory_space<hbm>>) dst(%arg4 : memref<12288xf32, #tpu.memory_space<vmem>>)
        tpu.yield
      }) : () -> ()
      %scan3A_21 = arith.constant 0 : i32
      %scan3A_22 = arith.constant 0 : i32
      %scan3A_23 = arith.constant 768 : i32
      %scan3A_24 = arith.addi %scan3A_22, %scan3A_23 : i32
      %scan3A_25 = arith.constant 1 : i32
      scf.for %scan3A_29 = %scan3A_22 to %scan3A_24 step %scan3A_25  : i32 {
        %jit3A = arith.constant 12 : i32
        %div3A = arith.divsi %scan3A_29, %jit3A : i32
        %sign3A = arith.constant 0 : i32
        %sign3A_30 = arith.cmpi sgt, %scan3A_29, %sign3A : i32
        %sign3A_31 = arith.extui %sign3A_30 : i1 to i32
        %sign3A_32 = arith.constant 0 : i32
        %sign3A_33 = arith.cmpi slt, %scan3A_29, %sign3A_32 : i32
        %sign3A_34 = arith.extui %sign3A_33 : i1 to i32
        %sign3A_35 = arith.subi %sign3A_31, %sign3A_34 : i32
        %sign3A_36 = arith.constant 0 : i32
        %sign3A_37 = arith.cmpi sgt, %jit3A, %sign3A_36 : i32
        %sign3A_38 = arith.extui %sign3A_37 : i1 to i32
        %sign3A_39 = arith.constant 0 : i32
        %sign3A_40 = arith.cmpi slt, %jit3A, %sign3A_39 : i32
        %sign3A_41 = arith.extui %sign3A_40 : i1 to i32
        %sign3A_42 = arith.subi %sign3A_38, %sign3A_41 : i32
        %ne3A = arith.cmpi ne, %sign3A_35, %sign3A_42 : i32
        %rem3A = arith.remsi %scan3A_29, %jit3A : i32
        %ne3A_43 = arith.constant 0 : i32
        %ne3A_44 = arith.cmpi ne, %rem3A, %ne3A_43 : i32
        %and3A = arith.andi %ne3A, %ne3A_44 : i1
        %sub3A = arith.constant 1 : i32
        %sub3A_45 = arith.subi %div3A, %sub3A : i32
        %select_n3A = arith.select %and3A, %sub3A_45, %div3A : i32
        %jit3A_46 = arith.constant 12 : i32
        %eq3A = arith.constant 0 : i32
        %eq3A_47 = arith.cmpi eq, %jit3A_46, %eq3A : i32
        %jit3A_48 = arith.constant 1 : i32
        %select_n3A_49 = arith.select %eq3A_47, %jit3A_48, %jit3A_46 : i32
        %rem3A_50 = arith.remsi %scan3A_29, %select_n3A_49 : i32
        %ne3A_51 = arith.constant 0 : i32
        %ne3A_52 = arith.cmpi ne, %rem3A_50, %ne3A_51 : i32
        %lt3A = arith.constant 0 : i32
        %lt3A_53 = arith.cmpi slt, %rem3A_50, %lt3A : i32
        %lt3A_54 = arith.constant 0 : i32
        %lt3A_55 = arith.cmpi slt, %select_n3A_49, %lt3A_54 : i32
        %ne3A_56 = arith.xori %lt3A_53, %lt3A_55 : i1
        %and3A_57 = arith.andi %ne3A_56, %ne3A_52 : i1
        %add3A_58 = arith.addi %rem3A_50, %select_n3A_49 : i32
        %select_n3A_59 = arith.select %and3A_57, %add3A_58, %rem3A_50 : i32
        %mul3A_60 = arith.constant 16 : i32
        %mul3A_61 = arith.muli %select_n3A_59, %mul3A_60 : i32
        %mul3A_62 = arith.constant 384 : i32
        %mul3A_63 = arith.muli %select_n3A, %mul3A_62 : i32
        %mul3A_64 = arith.constant 2 : i32
        %mul3A_65 = arith.muli %mul3A_64, %mul3A_61 : i32
        %add3A_66 = arith.addi %mul3A_63, %mul3A_65 : i32
        %mul3A_67 = arith.constant 2 : i32
        %mul3A_68 = vector.broadcast %mul3A_67 : i32 to vector<16xi32>
        %mul3A_69 = arith.muli %mul3A_68, %iota3A : vector<16xi32>
        %add3A_70 = vector.broadcast %add3A_66 : i32 to vector<16xi32>
        %add3A_71 = arith.addi %add3A_70, %mul3A_69 : vector<16xi32>
        %mul3A_72 = arith.constant 16 : i32
        %mul3A_73 = arith.muli %scan3A_29, %mul3A_72 : i32
        %get3A = arith.index_cast %mul3A_73 : i32 to index
        %get3A_74 = tpu.vector_load %arg4[%get3A] {strides = array<i32>} : memref<12288xf32, #tpu.memory_space<vmem>>, vector<16xf32>,
        tpu.vector_store_idx %arg5[%add3A_71], %get3A_74 : memref<24576xf32, #tpu.memory_space<vmem>>[vector<16xi32>], vector<16xf32>,
      }
      %scan3A_26 = arith.constant 768 : i32
      %mul3A_27 = arith.constant 384 : i32
      %mul3A_28 = arith.muli %add3A_18, %mul3A_27 : i32
      "tpu.region"() ({
        %run_scoped3A = tpu.sem_alloc : memref<!tpu.dma_semaphore, #tpu.memory_space<semaphore_mem>>
        %dma_start3A = tpu.memref_slice %arg3[%mul3A_28] : memref<77070336xf32, #tpu.memory_space<hbm>> -> memref<24576xf32, #tpu.memory_space<hbm>>
        %dma_start3A_29 = tpu.memref_slice %arg3[%mul3A_28] : memref<77070336xf32, #tpu.memory_space<hbm>> -> memref<24576xf32, #tpu.memory_space<hbm>>
        tpu.enqueue_dma source(%arg5 : memref<24576xf32, #tpu.memory_space<vmem>>) target(%dma_start3A_29 : memref<24576xf32, #tpu.memory_space<hbm>>) target_semaphore(%run_scoped3A : memref<!tpu.dma_semaphore, #tpu.memory_space<semaphore_mem>>)
        %dma_wait3A = tpu.memref_slice %arg3[%mul3A_28] : memref<77070336xf32, #tpu.memory_space<hbm>> -> memref<24576xf32, #tpu.memory_space<hbm>>
        %dma_wait3A_30 = tpu.memref_slice %arg3[%mul3A_28] : memref<77070336xf32, #tpu.memory_space<hbm>> -> memref<24576xf32, #tpu.memory_space<hbm>>
        tpu.wait_dma2 semaphore(%run_scoped3A : memref<!tpu.dma_semaphore, #tpu.memory_space<semaphore_mem>>) src(%arg5 : memref<24576xf32, #tpu.memory_space<vmem>>) dst(%dma_wait3A_30 : memref<24576xf32, #tpu.memory_space<hbm>>)
        tpu.yield
      }) : () -> ()
    }
    %scan3A_12 = arith.constant 98 : i32
    return
  }
}

</mosaic_0001>

<sc_bundles>
// kernel: kernel.3.cloned.1.call-start
scs
__scs_entry_jumppad:
0x0: {  	(pc) =	sbr.rel $0x88, $3  }
0x1: {  	(tag) =	ssettag $0x0;
	lr =	simm.s32 $0x1  }
0x2: {  	[smem:$0x3FA0] =	sst lr;
	_ =	strace $0xD0000000  }
0x3: {  	_ = 	snop  }
0x4: {  	_ = 	snop  }
0x5: {  	_ = 	snop  }
0x6: {  	_ = 	snop  }
0x7: {  	_ = 	snop  }
__scs_overlays_trampoline_lowered:
0x8: {  	[smem:$0x3FAF] =	sst s0  }
0x9: {  	[smem:$0x3FB0] =	sst s1  }
0xa: {  	[smem:$0x3FB1] =	sst s2  }
0xb: {  	[smem:$0x3FB2] =	sst s3  }
0xc: {  	[smem:$0x3FB3] =	sst s4  }
0xd: {  	[smem:$0x3FB4] =	sst s5  }
0xe: {  	[smem:$0x3FB5] =	sst s6  }
0xf: {  	[smem:$0x3FB6] =	sst s7  }
0x10: {  	[smem:$0x3FB7] =	sst s8  }
0x11: {  	[smem:$0x3FB8] =	sst s9;
	s0 =	simm.s32 @!p0 $0x0  }
0x12: {  	s1 =	sld [smem:$0x3F9E];
	s0 =	simm.s32 @p0 $0x1  }
0x13: {  	[smem:$0x3FB9] =	sst s0;
	s0 =	simm.s32 @!p1 $0x0  }
0x14: {  	s2 =	sld [smem:$0x3F9D];
	s0 =	simm.s32 @p1 $0x1  }
0x15: {  	[smem:$0x3FBA] =	sst s0;
	s0 =	simm.s32 @!p2 $0x0  }
0x16: {  	s3 =	sld [smem:$0x3FDB];
	s0 =	simm.s32 @p2 $0x1  }
0x17: {  	s4 =	simm.s32 $0x1BF5;
	[smem:$0x3FBC] =	sst s0  }
0x18: {  	s0 =	sld [smem:$0x3F9F];
	_ =	swait.ge [sflag:s4], $0x0  }
0x19: {  	s7 =	sld [smem:$0x3FA0]  }
0x1a: {  	s8 =	sadd.s32 $0xFFFFE003, lr  }
0x1b: {  	s9 =	sadd.s32 $0xFFFFFEF7, lr;
	s5 =	simm.s32 $0xFFFFFFFF;
	p2 =	slt.u32 s8, $0xFFFFF086  }
0x1c: {  	p1 =	slt.u32 s9, $0xF7A;
	s5 =	simm.s32 @!p2 $0x0  }
0x1d: {  	s5 =	simm.s32 @p1 $0x1;
	p0 =	seq.s32 s7, s2  }
0x1e: {  	s7 =	smul.u32 @!p0 $0xF7A, s2;
	p2 =	seq.s32 @!p0 s5, $0x0  }
0x1f: {  	s9 =	smul.u32 $0xF7A, s1;
	s8 =	simm.s32 @!p0 $0x1BF5;
	p2 =	por !p2, p0  }
0x20: {  	[sflag:s8] =	ssyncset.s32 @!p0 $0xFFFFF086;
	s6 =	sadd.s32 @!p0 s3, s7;
	s7 =	simm.s32 @!p0 $0x108  }
0x21: {  	s3 =	sadd.s32 s3, s9;
	s6 =	sadd.s32 @!p0 $0x88, s6;
	s7 =	simm.s32 @p2 $0x1082  }
0x22: {  	[simem:s7], [sflag:s8] =	dma.local @!p0 [hbm:s6], $0xF7A  }
0x23: {  	s9 =	sor.u32 $0xD0000000, s2;
	s6 =	simm.s32 $0x108;
	_ =	swait.ge @!p0 [sflag:s8], $0x0  }
0x24: {  	s3 =	sadd.s32 $0x88, s3;
	s6 =	simm.s32 @!p1 $0x1082;
	[sflag:s4] =	ssyncset.s32 $0xFFFFF086  }
0x25: {  	[simem:s6], [sflag:s4] =	dma.local [hbm:s3], $0xF7A  }
0x26: {  	[smem:$0x3FA0] =	sst s1;
	(tag) =	ssettag s2;
	_ =	strace s9  }
0x27: {  	s1 =	sld [smem:$0x3FB0]  }
0x28: {  	s2 =	sld [smem:$0x3FB1]  }
0x29: {  	s4 =	sld [smem:$0x3FB3]  }
0x2a: {  	p0 =	seq.s32 s5, $0x0;
	s5 =	sld [smem:$0x3FB4]  }
0x2b: {  	s6 =	sld [smem:$0x3FB5]  }
0x2c: {  	s7 =	sld [smem:$0x3FB6]  }
0x2d: {  	s3 =	simm.s32 $0x108;
	s8 =	sld [smem:$0x3FB7]  }
0x2e: {  	s3 =	simm.s32 @!p0 $0x1082;
	s9 =	sld [smem:$0x3FB8]  }
0x2f: {  	lr =	sadd.s32 s0, s3;
	s0 =	sld [smem:$0x3FAF]  }
0x30: {  	s3 =	sld [smem:$0x3FB2]  }
0x31: {  	[smem:$0x3FBB] =	sst s10  }
0x32: {  	s10 =	sld [smem:$0x3FB9];
	_ =	sdelay $0x3  }
0x33: {  	p0 =	seq.s32 s10, $0x1;
	s10 =	sld [smem:$0x3FBB];
	_ =	sdelay $0x3  }
0x34: {  	[smem:$0x3FBB] =	sst s10  }
0x35: {  	s10 =	sld [smem:$0x3FBA];
	_ =	sdelay $0x3  }
0x36: {  	p1 =	seq.s32 s10, $0x1;
	s10 =	sld [smem:$0x3FBB];
	_ =	sdelay $0x3  }
0x37: {  	[smem:$0x3FBB] =	sst s10  }
0x38: {  	s10 =	sld [smem:$0x3FBC]  }
0x39: {  	_ = 	snop;
	(pc) =	sbr.ind lr, $3  }
0x3a: {  	_ = 	snop  }
0x3b: {  	_ = 	snop  }
0x3c: {  	p2 =	seq.s32 s10, $0x1;
	s10 =	sld [smem:$0x3FBB]  }
0x3d: {  	_ =	shalt  }
0x3e: {  	_ =	shalt  }
0x3f: {  	_ =	shalt  }
0x40: {  	_ =	shalt  }
0x41: {  	_ =	shalt  }
0x42: {  	_ =	shalt  }
0x43: {  	_ =	shalt  }
0x44: {  	_ =	shalt  }
0x45: {  	_ =	shalt  }
0x46: {  	_ =	shalt  }
0x47: {  	_ =	shalt  }
0x48: {  	_ =	shalt  }
0x49: {  	_ =	shalt  }
0x4a: {  	_ =	shalt  }
0x4b: {  	_ =	shalt  }
0x4c: {  	_ =	shalt  }
0x4d: {  	_ =	shalt  }
0x4e: {  	_ =	shalt  }
0x4f: {  	_ =	shalt  }
0x50: {  	_ =	shalt  }
0x51: {  	_ =	shalt  }
0x52: {  	_ =	shalt  }
0x53: {  	_ =	shalt  }
0x54: {  	_ =	shalt  }
0x55: {  	_ =	shalt  }
0x56: {  	_ =	shalt  }
0x57: {  	_ =	shalt  }
0x58: {  	_ =	shalt  }
0x59: {  	_ =	shalt  }
0x5a: {  	_ =	shalt  }
0x5b: {  	_ =	shalt  }
0x5c: {  	_ =	shalt  }
0x5d: {  	_ =	shalt  }
0x5e: {  	_ =	shalt  }
0x5f: {  	_ =	shalt  }
0x60: {  	_ =	shalt  }
0x61: {  	_ =	shalt  }
0x62: {  	_ =	shalt  }
0x63: {  	_ =	shalt  }
0x64: {  	_ =	shalt  }
0x65: {  	_ =	shalt  }
0x66: {  	_ =	shalt  }
0x67: {  	_ =	shalt  }
0x68: {  	_ =	shalt  }
0x69: {  	_ =	shalt  }
0x6a: {  	_ =	shalt  }
0x6b: {  	_ =	shalt  }
0x6c: {  	_ =	shalt  }
0x6d: {  	_ =	shalt  }
0x6e: {  	_ =	shalt  }
0x6f: {  	_ =	shalt  }
0x70: {  	_ =	shalt  }
0x71: {  	_ =	shalt  }
0x72: {  	_ =	shalt  }
0x73: {  	_ =	shalt  }
0x74: {  	_ =	shalt  }
0x75: {  	_ =	shalt  }
0x76: {  	_ =	shalt  }
0x77: {  	_ =	shalt  }
0x78: {  	_ =	shalt  }
0x79: {  	_ =	shalt  }
0x7a: {  	_ =	shalt  }
0x7b: {  	_ =	shalt  }
0x7c: {  	_ =	shalt  }
0x7d: {  	_ =	shalt  }
0x7e: {  	_ =	shalt  }
0x7f: {  	_ =	shalt  }
0x80: {  	_ =	shalt  }
0x81: {  	_ =	shalt  }
0x82: {  	_ =	shalt  }
0x83: {  	_ =	shalt  }
0x84: {  	_ =	shalt  }
0x85: {  	_ =	shalt  }
0x86: {  	_ =	shalt  }
0x87: {  	_ =	shalt  }
.Lfunc_end0:
.L_simem_size_0:
called_computation_lowered:
.L_overlay_start_0:
0x88: {  	s2 =	sld [smem:$0x3FD9]  }
0x89: {  	s3 =	sld [smem:$0x3FFE];
	_ =	sdelay $0x1  }
0x8a: {  	s1 =	srdreg.scid  }
0x8b: {  	s0 =	sand.u32 $0x1, s1  }
0x8c: {  	s17 =	sshll.u32 s0, $0xA;
	s2 =	sadd.s32 s3, s2  }
0x8d: {  	s2 =	sadd.s32 s2, s17  }
0x8e: {  	[smem:$0x3FC7] =	sst s2  }
0x8f: {  	_ = 	snop  }
0x90: {  	s2 =	sld [smem:$0x3FD0];
	(tm) =	ssettm $0x1  }
0x91: {  	s18 =	sld [smem:$0x3FFB];
	_ =	sdelay $0x3  }
0x92: {  	_ =	strace s18  }
0x93: {  	s3 =	sld [smem:$0x3FFC];
	_ =	sdelay $0x3  }
0x94: {  	_ =	strace s3  }
0x95: {  	s3 =	sld [smem:$0x3FFD];
	_ =	sdelay $0x3  }
0x96: {  	_ =	strace s3  }
0x97: {  	_ =	strace $0x8FFFFFFF  }
0x98: {  	s19 =	sld [smem:$0x3FDB];
	_ =	sdelay $0x1  }
0x99: {  	s4 =	simm.s32 $_scs_section_size  }
0x9a: {  	s5 =	simm.s32 $_size__tile_overlayer_lowered;
	s6 =	simm.s32 $_tile_overlayer_lowered  }
0x9b: {  	s22 =	simm.s32 $0x1BFF;
	s21 =	sshll.u32 s6, $0x1;
	s3 =	sadd.s32 s4, s19  }
0x9c: {  	s7 =	simm.s32 $0x0;
	s20 =	sshll.u32 s5, $0x1;
	s5 =	sadd.s32 s21, s3  }
0x9d: {  	[timem:s7], [sflag:s22] =	dma.local [hbm:s5], s20  }
0x9e: {  	_ =	swait.ge [sflag:s22], s20  }
0x9f: {  	s4 =	ssub.s32 $0x0, s20;
	[sflag:s22] =	ssyncset.done $0x0  }
0xa0: {  	[sflag:s22] =	ssyncadd.s32 s4;
	_ =	sdelay $0x1  }
0xa1: {  	s23 =	simm.s32 $0x1B8B  }
0xa2: {  	_ =	swait.ge [sflag:s23], $0x1  }
0xa3: {  	[sflag:s23] =	ssyncset.done $0x0  }
0xa4: {  	s25 =	simm.s32 $0x1B8E;
	s24 =	sld [smem:$0x3FFE];
	[sflag:s23] =	ssyncadd.s32 $0xFFFFFFFF  }
0xa5: {  	s26 =	simm.s32 $execute0_lowered;
	[smem:$0x3FD2] =	sst s25  }
0xa6: {  	s5 =	sshll.u32 s26, $0x1;
	_ =	strace $0x80000046;
	[dreg:$0x1] =	wrdreg $0xFFFFFFFF  }
0xa7: {  	s28 =	simm.s32 $_size_execute0_lowered;
	s3 =	sadd.s32 s3, s5;
	[dreg:$0x0] =	wrdreg $0x0  }
0xa8: {  	s5 =	sshll.u32 s28, $0x1;
	[dreg:$0x2] =	wrdreg s3  }
0xa9: {  	[dreg:$0x3] =	wrdreg s5  }
0xaa: {  	[dreg:$0x4] =	wrdreg $0xC0  }
0xab: {  	_ =	task [dreg:s7], $0x5FFFF  }
0xac: {  	[dreg:$0x1] =	wrdreg $0xFFFFFFFF  }
0xad: {  	[dreg:$0x0] =	wrdreg $0x60  }
0xae: {  	[dreg:$0x2] =	wrdreg s2  }
0xaf: {  	[dreg:$0x3] =	wrdreg s24  }
0xb0: {  	[dreg:$0x4] =	wrdreg $0x9  }
0xb1: {  	_ =	task.clear_ibuf [dreg:s7], $0x5FFFF;
	_ =	strace $0x90000046  }
0xb2: {  	s29 =	simm.s32 $0x9;
	_ =	strace $0x80000048  }
0xb3: {  	_ =	swait.ge [sflag:s29], $0x1  }
0xb4: {  	[sflag:s29] =	ssyncadd.s32 $0xFFFFFFFF  }
0xb5: {  	_ =	strace $0x90000048  }
0xb6: {  	_ =	sfence  }
0xb7: {  	s30 =	sld [smem:$0x0];
	_ =	sdelay $0x2  }
0xb8: {  	s31 =	sshll.u32 s1, $0xD;
	s1 =	sshrl.u32 s1, $0x2  }
0xb9: {  	s3 =	sand.u32 $0x4000, s31;
	s1 =	sadd.s32 s1, s30  }
0xba: {  	s0 =	sor.u32 s3, s0;
	s1 =	sshll.u32 s1, $0x11  }
0xbb: {  	s0 =	sor.u32 s1, s0  }
0xbc: {  	s0 =	sadd.s32 $0x8F2B, s0  }
0xbd: {  	[sflag:s0] =	ssyncadd.remote.s32 $0x1  }
0xbe: {  	_ =	sfence.sel $0xFFFF  }
0xbf: {  	[dreg:$0x0] =	wrdreg $0xFFFFFFFF;
	(pc) =	sbr.abs _section_cstart, $3  }
0xc0: {  	[dreg:$0x1] =	wrdreg $0xFFFFFFFF  }
0xc1: {  	_ =	task.clear_ibuf [dreg:s7], $0x2FFFF;
	_ =	strace $0x9FFFFFFF  }
0xc2: {  	(tm) =	ssettm $0x7FFFFFFF  }
0xc3: {  	_ =	shalt  }
tec
execute0_lowered:
.L_overlay_start_1:
0x0: {  	(tag) =	ssettag $0x1  }
0x1: {  	s1 =	rddreg [dreg:$0x0]  }
0x2: {  	s4 =	rddreg [dreg:$0x1]  }
0x3: {  	s2 =	srdreg.scid;
	s0 =	rddreg [dreg:$0x2];
	s3 =	simm.s32 $0x0  }
0x4: {  	s9 =	simm.s32 $0x0;
	s5 =	sand.u32 $0x1, s2;
	s2 =	stileid.u32  }
0x5: {  	[smem:$0x7FF] =	sst s3;
	s4 =	sadd.s32 $0x400, s4;
	s6 =	ssub.s32 $0x2, s5  }
0x6: {  	s8 =	sshll.u32 s2, $0x1;
	_ =	strace $0x80000047;
	s7 =	sshrl.u32 s6, $0x1  }
0x7: {  	v1 =	vlaneseq.u32;
	s5 =	sor.u32 s5, s8;
	s8 =	simm.s32 $0x3000;
	s6 =	ssub.s32 s6, s7  }
0x8: {  	v0 =	vimm.f32 $0.0e+00;
	v1 =	vmul.u32 $0x2, v1;
	s5 =	smul.u32 $0x1880, s5;
	s7 =	simm.s32 $0x1;
	s6 =	smax.u32 s6, $0x1  }
.LBB2_1:
0x9: {  	s10 =	simm.s32 $0x40;
	s11 =	simm.s32 $0x0  }
.LBB2_2:
0xa: {  	p0 =	sne.s32 s10, $0x17FC0;
	[tilespmem:s11+$0x3000] =	vst v0;
	s11 =	smov.u32 s10;
	s10 =	sadd.s32 $0x40, s10  }
.Ltmp0:
0xb: {  	(pc) =	sbr.rel @p0 .LBB2_2-.Ltmp0, $2  }
0xc: {  	_ =	sdelay $0x2  }
0xd: {  	s11 =	sshra.s32 s11, $0x2  }
0xe: {  	[tilespmem:s11+$0x3000] =	vst v0;
	s10 =	simm.s32 $0x0;
	s11 =	simm.s32 $0x0  }
.LBB2_4:
0xf: {  	s12 =	sshll.u32 s11, $0x6  }
0x10: {  	s13 =	smul.u32 $0xAAAB, s10;
	s12 =	sadd.s32 s5, s12  }
0x11: {  	s14 =	smul.u32 $0x18, s12  }
0x12: {  	s15 =	sshrl.u32 s13, $0x13  }
0x13: {  	s31 =	smul.u32 $0xC, s15;
	s30 =	sadd.s32 s1, s14  }
0x14: {  	[tilespmem:s10], [sflag:$0x1] =	stream.linear.gather [hbm4b:s30+s10], $0x3000, $0x38;
	[tilespmem:$0x9000] =	vst v63  }
0x15: {  	s13 =	simm.s32 $0x1;
	s15 =	smul.u32 $0x180, s15;
	s14 =	ssub.s32 $0x0, s31  }
0x16: {  	s16 =	smul.u32 $0xAAAB, s13;
	_ =	swait.ge [sflag:s7], $0x3000;
	s14 =	sshll.u32 s14, $0x5  }
0x17: {  	s15 =	sand.u32 $0xFF80, s15;
	[sflag:s7] =	ssyncset.done $0x0;
	s14 =	sand.u32 $0xFFE0, s14  }
0x18: {  	s16 =	sshrl.u32 s16, $0x13;
	[sflag:s7] =	ssyncadd.s32 $0xFFFFD000;
	s14 =	sadd.s32 s14, s15  }
0x19: {  	s17 =	smul.u32 $0xC, s16;
	s15 =	simm.s32 $0x2;
	v2 =	vld [tilespmem:s10+$0x0];
	v3 =	vor.u32 s14, v1;
	s14 =	simm.s32 $0x0  }
.LBB2_5:
0x1a: {  	s18 =	smul.u32 $0xAAAB, s15  }
0x1b: {  	s19 =	smov.u32 s15;
	s16 =	smul.u32 $0x180, s16;
	p0 =	sne.s32 s15, $0x2FF  }
.Ltmp1:
0x1c: {  	s13 =	ssub.s32 s13, s17;
	(pc) =	sbr.rel @p0 .LBB2_5-.Ltmp1, $4  }
0x1d: {  	s15 =	sadd.s32 $0x1, s15;
	s13 =	sshll.u32 s13, $0x5  }
0x1e: {  	s17 =	sand.u32 $0xFF80, s16;
	s20 =	sand.u32 $0xFFE0, s13;
	s13 =	smov.u32 s19  }
0x1f: {  	s14 =	sadd.s32 $0x10, s14;
	s16 =	sshrl.u32 s18, $0x13;
	s18 =	sadd.s32 s20, s17;
	[tilespmem:v3+s8+$0x0] =	vst.idx.msk $0xffff, v2  }
0x20: {  	s17 =	smul.u32 $0xC, s16;
	v2 =	vld [tilespmem:s14+$0x0];
	v3 =	vor.u32 s18, v1  }
0x21: {  	_ = 	snop  }
0x22: {  	s15 =	smul.u32 $0x180, s16;
	s13 =	ssub.s32 s13, s17  }
0x23: {  	s13 =	sshll.u32 s13, $0x5  }
0x24: {  	s15 =	sand.u32 $0xFF80, s15;
	s13 =	sand.u32 $0xFFE0, s13  }
0x25: {  	s14 =	sadd.s32 $0x10, s14;
	s13 =	sadd.s32 s13, s15;
	[tilespmem:v3+s8+$0x0] =	vst.idx.msk $0xffff, v2  }
0x26: {  	v2 =	vld [tilespmem:s14+$0x0];
	v3 =	vor.u32 s13, v1;
	_ =	sdelay $0x2  }
0x27: {  	s12 =	smul.u32 $0x30, s12;
	s11 =	sadd.s32 $0x1, s11  }
0x28: {  	p0 =	sne.s32 s11, $0x62  }
.Ltmp2:
0x29: {  	s12 =	sadd.s32 s4, s12;
	[tilespmem:v3+s8+$0x0] =	vst.idx.msk $0xffff, v2;
	(pc) =	sbr.rel @p0 .LBB2_4-.Ltmp2, $4  }
0x2a: {  	[hbm4b:s12+s3] =	stream.linear.scatter [tilespmem:s8], [sflag:$0x1], $0x6000, $0x38;
	[tilespmem:$0x9000] =	vst v63  }
0x2b: {  	_ =	swait.ge [sflag:s7], $0x6000  }
0x2c: {  	[sflag:s7] =	ssyncset.done $0x0  }
0x2d: {  	[sflag:s7] =	ssyncadd.s32 $0xFFFFA000  }
0x2e: {  	s9 =	sadd.s32 $0x1, s9  }
0x2f: {  	p0 =	sne.s32 s9, s6  }
.Ltmp3:
0x30: {  	_ = 	snop;
	(pc) =	sbr.rel @p0 .LBB2_1-.Ltmp3, $1  }
0x31: {  	_ =	sdelay $0x3  }
0x32: {  	_ =	sfence.sel $0x180000  }
0x33: {  	[bflag:$0x0] =	sbarrier.arrive $0xFFFF  }
0x34: {  	p0 =	sne.s32 s2, $0x0;
	_ =	strace $0x90000047  }
0x35: {  	s0 =	sadd.s32 @!p0 $0x100000, s0;
	[bflag:$0x2] =	sbarrier.arrive $0xFFFF  }
0x36: {  	[sflag:s0] =	ssyncadd.tile.s32 @!p0 $0x1;
	_ =	shalt  }
.Lfunc_end2:
_tile_overlayer_lowered:
.L_overlay_start_2:
0x37: {  	(tag) =	ssettag $0x2  }
0x38: {  	s0 =	rddreg [dreg:$0x0];
	s2 =	stileid.u32  }
0x39: {  	s1 =	rddreg [dreg:$0x1];
	p0 =	sne.s32 s2, $0x0  }
0x3a: {  	s3 =	rddreg [dreg:$0x2];
	[bflag:$0x3] =	sbarrier.arrive $0xFFFF;
	s2 =	simm.s32 @!p0 $0x1C01  }
0x3b: {  	[timem:s3], [sflag:s2] =	dma.local @!p0 [hbm:s0], s1  }
0x3c: {  	s0 =	simm.s32 @!p0 $0x1  }
0x3d: {  	_ =	swait.ge @!p0 [sflag:s0], s1  }
0x3e: {  	s1 =	ssub.s32 @!p0 $0x0, s1;
	[sflag:s0] =	ssyncset.done @!p0 $0x0  }
0x3f: {  	[sflag:s0] =	ssyncadd.s32 @!p0 s1  }
0x40: {  	[bflag:$0x3] =	sbarrier.arrive $0xFFFF  }
0x41: {  	_ =	shalt  }

</sc_bundles>
